<compile_context>
chip_gen: v7x
topology: tpu7x:2x2x1
jax: 0.10.2.dev20260603
libtpu: 0.0.44.dev20260713+nightly
codegen_flags: <defaults>
</compile_context>

<pallas_src>
import functools

import jax
import jax.numpy as jnp
from jax import lax
from jax.experimental import pallas as pl
from jax.experimental.pallas import tpu as pltpu
from jax.experimental.pallas import tpu_sc as plsc

V_DIM = 1000000
EMB_DIM = 32
BATCH = 16384

_L = 16
_NBUF = 24


def _make_gather():
    info = plsc.get_sparse_core_info()
    nc, ns = info.num_cores, info.num_subcores
    nw = nc * ns
    b_per_w = BATCH // nw
    n_phase = b_per_w // 128
    mesh = plsc.VectorSubcoreMesh(core_axis_name="c", subcore_axis_name="s")

    @functools.partial(
        pl.kernel,
        mesh=mesh,
        out_type=jax.ShapeDtypeStruct((EMB_DIM, BATCH), jnp.float32),
        scratch_types=[
            pltpu.VMEM((b_per_w,), jnp.int32),
            pltpu.VMEM((_NBUF, EMB_DIM, 128), jnp.float32),
            pltpu.VMEM((n_phase, EMB_DIM, 128), jnp.float32),
            pltpu.SemaphoreType.DMA((_NBUF,)),
        ],
        compiler_params=pltpu.CompilerParams(needs_layout_passes=False),
    )
    def gather_kernel(tab_hbm, idx_hbm, out_hbm, idx_v, slabs, outs, sems):
        wid = lax.axis_index("s") * nc + lax.axis_index("c")
        base = wid * b_per_w
        pltpu.sync_copy(idx_hbm.at[pl.ds(base, b_per_w)], idx_v)

        def splat_idx(m):
            return plsc.load_gather(idx_v, [jnp.full((_L,), m, jnp.int32)])

        def fetch(m, s):
            c128 = (jnp.max(splat_idx(m)) >> 7) * 128
            pltpu.async_copy(
                tab_hbm.at[:, pl.ds(pl.multiple_of(c128, 128), 128)],
                slabs.at[s],
                sems.at[s],
            )

        def wait_slab(s):
            pltpu.make_async_copy(
                tab_hbm.at[:, pl.ds(0, 128)], slabs.at[0], sems.at[s]
            ).wait()

        row_lo = jax.lax.broadcasted_iota(jnp.int32, (_L,), 0)
        row_hi = row_lo + _L

        def prologue(p, _):
            fetch(p, p)
            return _

        lax.fori_loop(0, _NBUF - 1, prologue, None)

        def step(k, _):
            s = lax.rem(k, _NBUF)

            @pl.when(k + _NBUF - 1 < b_per_w)
            def _fetch_ahead():
                fetch(k + _NBUF - 1, lax.rem(k + _NBUF - 1, _NBUF))

            wait_slab(s)
            lane = splat_idx(k) & 127
            s_spl = jnp.full((_L,), s, jnp.int32)
            q_spl = jnp.full((_L,), k >> 7, jnp.int32)
            col = jnp.full((_L,), k & 127, jnp.int32)
            lo = plsc.load_gather(slabs, [s_spl, row_lo, lane])
            hi = plsc.load_gather(slabs, [s_spl, row_hi, lane])
            plsc.store_scatter(outs, [q_spl, row_lo, col], lo)
            plsc.store_scatter(outs, [q_spl, row_hi, col], hi)
            return _

        lax.fori_loop(0, b_per_w, step, None)

        for q in range(n_phase):
            pltpu.sync_copy(
                outs.at[q], out_hbm.at[:, pl.ds(base + q * 128, 128)]
            )

    return gather_kernel


_gather = _make_gather()


@jax.jit
def kernel(x, table):
    out_t = _gather(table.T, x.astype(jnp.int32))
    return out_t.T

# --- scband reference (transcript-rebuilt; emitter-appended) ---
"""Pipeline reference for scband-skip-gram-23227183137279 (READ-ONLY COPY).

The authoritative reference and input builder live on the scoring server;
editing this copy changes nothing except your own understanding.
"""

import jax, jax.numpy as jnp
import numpy as np

V_DIM = 1000000
EMB_DIM = 32
BATCH = 16384

def setup_inputs(seed: int = 0) -> dict:
    key = jax.random.key(seed)
    k1, k2 = jax.random.split(key)
    x = jax.random.randint(k1, (BATCH,), 0, V_DIM, dtype=jnp.int64)
    # embedding table (learned parameter)
    table = jax.random.normal(k2, (V_DIM, EMB_DIM), dtype=jnp.float32)
    return {"x": x, "table": table}

def reference(x, table):
    # SkipGram.call(x) == self.embeddings(x): plain embedding gather
    return jnp.take(table, x, axis=0)

if __name__ == "__main__":
    import jax
    _d = setup_inputs()
    print(jax.jit(kernel)(*tuple(_d.values())))

</pallas_src>

<mosaic_0001>
#map = affine_map<(d0, d1) -> (0, 0)>
#map1 = affine_map<(d0, d1) -> (0)>
module attributes {stable_mosaic.version = 14 : i64} {
  func.func @gather_kernel(%arg0: i32, %arg1: i32, %arg2: memref<32x1000000xf32, #tpu.memory_space<hbm>>, %arg3: memref<16384xi32, #tpu.memory_space<hbm>>, %arg4: memref<32x16384xf32, #tpu.memory_space<hbm>>, %arg5: memref<512xi32, #tpu.memory_space<vmem>>, %arg6: memref<24x32x128xf32, #tpu.memory_space<vmem>>, %arg7: memref<4x32x128xf32, #tpu.memory_space<vmem>>, %arg8: memref<24x!tpu.dma_semaphore, #tpu.memory_space<semaphore_mem>>) attributes {dimension_semantics = [#tpu.dimension_semantics<core_parallel>, #tpu.dimension_semantics<subcore_parallel>], iteration_bounds = array<i64: 2, 16>, scalar_prefetch = 0 : i64, scratch_operands = 4 : i64, tpu.core_type = #tpu.core_type<sc_vector_subcore>, window_params = [{transform_indices = #map}, {transform_indices = #map1}, {transform_indices = #map}]} {
    %mul3A = arith.constant 2 : i32
    %mul3A_0 = arith.muli %arg1, %mul3A : i32
    %add3A = arith.addi %mul3A_0, %arg0 : i32
    %mul3A_1 = arith.constant 512 : i32
    %mul3A_2 = arith.muli %add3A, %mul3A_1 : i32
    "tpu.region"() ({
      %run_scoped3A_26 = tpu.sem_alloc : memref<!tpu.dma_semaphore, #tpu.memory_space<semaphore_mem>>
      %dma_start3A = tpu.memref_slice %arg3[%mul3A_2] : memref<16384xi32, #tpu.memory_space<hbm>> -> memref<512xi32, #tpu.memory_space<hbm>>
      %dma_start3A_27 = tpu.memref_slice %arg3[%mul3A_2] : memref<16384xi32, #tpu.memory_space<hbm>> -> memref<512xi32, #tpu.memory_space<hbm>>
      tpu.enqueue_dma source(%dma_start3A_27 : memref<512xi32, #tpu.memory_space<hbm>>) target(%arg5 : memref<512xi32, #tpu.memory_space<vmem>>) target_semaphore(%run_scoped3A_26 : memref<!tpu.dma_semaphore, #tpu.memory_space<semaphore_mem>>)
      %dma_wait3A = tpu.memref_slice %arg3[%mul3A_2] : memref<16384xi32, #tpu.memory_space<hbm>> -> memref<512xi32, #tpu.memory_space<hbm>>
      %dma_wait3A_28 = tpu.memref_slice %arg3[%mul3A_2] : memref<16384xi32, #tpu.memory_space<hbm>> -> memref<512xi32, #tpu.memory_space<hbm>>
      tpu.wait_dma2 semaphore(%run_scoped3A_26 : memref<!tpu.dma_semaphore, #tpu.memory_space<semaphore_mem>>) src(%dma_wait3A_28 : memref<512xi32, #tpu.memory_space<hbm>>) dst(%arg5 : memref<512xi32, #tpu.memory_space<vmem>>)
      tpu.yield
    }) : () -> ()
    %iota3A = tpu.iota {dimensions = array<i32: 0>} : vector<16xi32>
    %add3A_3 = arith.constant 16 : i32
    %add3A_4 = vector.broadcast %add3A_3 : i32 to vector<16xi32>
    %add3A_5 = arith.addi %iota3A, %add3A_4 : vector<16xi32>
    %scan3A = arith.constant 0 : i32
    %scan3A_6 = arith.constant 23 : i32
    %scan3A_7 = arith.addi %scan3A, %scan3A_6 : i32
    %scan3A_8 = arith.constant 1 : i32
    scf.for %scan3A_26 = %scan3A to %scan3A_7 step %scan3A_8  : i32 {
      %broadcast_in_dim3A = vector.broadcast %scan3A_26 : i32 to vector<16xi32>
      %gather3A = tpu.vector_load_idx %arg5[%broadcast_in_dim3A] : memref<512xi32, #tpu.memory_space<vmem>>[vector<16xi32>], vector<16xi32>,
      %reduce_max3A = arith.constant true
      %reduce_max3A_27 = vector.broadcast %reduce_max3A : i1 to vector<16xi1>
      %reduce_max3A_28 = arith.constant -2147483648 : i32
      %reduce_max3A_29 = vector.broadcast %reduce_max3A_28 : i32 to vector<16xi32>
      %reduce_max3A_30 = arith.xori %gather3A, %reduce_max3A_29 : vector<16xi32>
      %reduce_max3A_31 = tpu.scan <max>, %reduce_max3A_30 masked %reduce_max3A_27 : vector<16xi32>, vector<16xi1> -> vector<16xi32>
      %reduce_max3A_32 = arith.xori %reduce_max3A_31, %reduce_max3A_29 : vector<16xi32>
      %reduce_max3A_33 = vector.extract %reduce_max3A_32[15] : i32 from vector<16xi32>
      %shift_right_arithmetic3A = arith.constant 7 : i32
      %shift_right_arithmetic3A_34 = arith.shrsi %reduce_max3A_33, %shift_right_arithmetic3A : i32
      %mul3A_35 = arith.constant 128 : i32
      %mul3A_36 = arith.muli %shift_right_arithmetic3A_34, %mul3A_35 : i32
      %multiple_of3A = tpu.assume_multiple %mul3A_36, 128 : i32
      %dma_start3A = arith.constant 0 : i32
      %dma_start3A_37 = arith.constant 0 : i32
      %dma_start3A_38 = tpu.memref_slice %arg6[%scan3A_26, %dma_start3A, %dma_start3A_37] : memref<24x32x128xf32, #tpu.memory_space<vmem>> -> memref<1x32x128xf32, #tpu.memory_space<vmem>>
      %dma_start3A_39 = tpu.memref_squeeze %dma_start3A_38 : memref<1x32x128xf32, #tpu.memory_space<vmem>> -> memref<32x128xf32, #tpu.memory_space<vmem>>
      %dma_start3A_40 = arith.constant 0 : i32
      %dma_start3A_41 = tpu.memref_slice %arg2[%dma_start3A_40, %multiple_of3A] : memref<32x1000000xf32, #tpu.memory_space<hbm>> -> memref<32x128xf32, #tpu.memory_space<hbm>>
      %dma_start3A_42 = tpu.memref_slice %arg8[%scan3A_26] : memref<24x!tpu.dma_semaphore, #tpu.memory_space<semaphore_mem>> -> memref<1x!tpu.dma_semaphore, #tpu.memory_space<semaphore_mem>>
      %dma_start3A_43 = tpu.memref_squeeze %dma_start3A_42 : memref<1x!tpu.dma_semaphore, #tpu.memory_space<semaphore_mem>> -> memref<!tpu.dma_semaphore, #tpu.memory_space<semaphore_mem>>
      %dma_start3A_44 = arith.constant 0 : i32
      %dma_start3A_45 = arith.constant 0 : i32
      %dma_start3A_46 = tpu.memref_slice %arg6[%scan3A_26, %dma_start3A_44, %dma_start3A_45] : memref<24x32x128xf32, #tpu.memory_space<vmem>> -> memref<1x32x128xf32, #tpu.memory_space<vmem>>
      %dma_start3A_47 = tpu.memref_squeeze %dma_start3A_46 : memref<1x32x128xf32, #tpu.memory_space<vmem>> -> memref<32x128xf32, #tpu.memory_space<vmem>>
      %dma_start3A_48 = arith.constant 0 : i32
      %dma_start3A_49 = tpu.memref_slice %arg2[%dma_start3A_48, %multiple_of3A] : memref<32x1000000xf32, #tpu.memory_space<hbm>> -> memref<32x128xf32, #tpu.memory_space<hbm>>
      tpu.enqueue_dma source(%dma_start3A_49 : memref<32x128xf32, #tpu.memory_space<hbm>>) target(%dma_start3A_47 : memref<32x128xf32, #tpu.memory_space<vmem>>) target_semaphore(%dma_start3A_43 : memref<!tpu.dma_semaphore, #tpu.memory_space<semaphore_mem>>)
    }
    %scan3A_9 = arith.constant 23 : i32
    %scan3A_10 = arith.constant 0 : i32
    %scan3A_11 = arith.constant 512 : i32
    %scan3A_12 = arith.addi %scan3A_10, %scan3A_11 : i32
    %scan3A_13 = arith.constant 1 : i32
    scf.for %scan3A_26 = %scan3A_10 to %scan3A_12 step %scan3A_13  : i32 {
      %rem3A = arith.constant 24 : i32
      %rem3A_27 = arith.remsi %scan3A_26, %rem3A : i32
      %add3A_28 = arith.constant 24 : i32
      %add3A_29 = arith.addi %scan3A_26, %add3A_28 : i32
      %sub3A = arith.constant 1 : i32
      %sub3A_30 = arith.subi %add3A_29, %sub3A : i32
      %lt3A = arith.constant 512 : i32
      %lt3A_31 = arith.cmpi slt, %sub3A_30, %lt3A : i32
      %convert_element_type3A = arith.extui %lt3A_31 : i1 to i32
      %cond3A = arith.constant 0 : i32
      %cond3A_32 = arith.cmpi ne, %convert_element_type3A, %cond3A : i32
      scf.if %cond3A_32 {
        %add3A_59 = arith.constant 24 : i32
        %add3A_60 = arith.addi %scan3A_26, %add3A_59 : i32
        %sub3A_61 = arith.constant 1 : i32
        %sub3A_62 = arith.subi %add3A_60, %sub3A_61 : i32
        %add3A_63 = arith.constant 24 : i32
        %add3A_64 = arith.addi %scan3A_26, %add3A_63 : i32
        %sub3A_65 = arith.constant 1 : i32
        %sub3A_66 = arith.subi %add3A_64, %sub3A_65 : i32
        %rem3A_67 = arith.constant 24 : i32
        %rem3A_68 = arith.remsi %sub3A_66, %rem3A_67 : i32
        %broadcast_in_dim3A_69 = vector.broadcast %sub3A_62 : i32 to vector<16xi32>
        %gather3A_70 = tpu.vector_load_idx %arg5[%broadcast_in_dim3A_69] : memref<512xi32, #tpu.memory_space<vmem>>[vector<16xi32>], vector<16xi32>,
        %reduce_max3A = arith.constant true
        %reduce_max3A_71 = vector.broadcast %reduce_max3A : i1 to vector<16xi1>
        %reduce_max3A_72 = arith.constant -2147483648 : i32
        %reduce_max3A_73 = vector.broadcast %reduce_max3A_72 : i32 to vector<16xi32>
        %reduce_max3A_74 = arith.xori %gather3A_70, %reduce_max3A_73 : vector<16xi32>
        %reduce_max3A_75 = tpu.scan <max>, %reduce_max3A_74 masked %reduce_max3A_71 : vector<16xi32>, vector<16xi1> -> vector<16xi32>
        %reduce_max3A_76 = arith.xori %reduce_max3A_75, %reduce_max3A_73 : vector<16xi32>
        %reduce_max3A_77 = vector.extract %reduce_max3A_76[15] : i32 from vector<16xi32>
        %shift_right_arithmetic3A_78 = arith.constant 7 : i32
        %shift_right_arithmetic3A_79 = arith.shrsi %reduce_max3A_77, %shift_right_arithmetic3A_78 : i32
        %mul3A_80 = arith.constant 128 : i32
        %mul3A_81 = arith.muli %shift_right_arithmetic3A_79, %mul3A_80 : i32
        %multiple_of3A = tpu.assume_multiple %mul3A_81, 128 : i32
        %dma_start3A = arith.constant 0 : i32
        %dma_start3A_82 = arith.constant 0 : i32
        %dma_start3A_83 = tpu.memref_slice %arg6[%rem3A_68, %dma_start3A, %dma_start3A_82] : memref<24x32x128xf32, #tpu.memory_space<vmem>> -> memref<1x32x128xf32, #tpu.memory_space<vmem>>
        %dma_start3A_84 = tpu.memref_squeeze %dma_start3A_83 : memref<1x32x128xf32, #tpu.memory_space<vmem>> -> memref<32x128xf32, #tpu.memory_space<vmem>>
        %dma_start3A_85 = arith.constant 0 : i32
        %dma_start3A_86 = tpu.memref_slice %arg2[%dma_start3A_85, %multiple_of3A] : memref<32x1000000xf32, #tpu.memory_space<hbm>> -> memref<32x128xf32, #tpu.memory_space<hbm>>
        %dma_start3A_87 = tpu.memref_slice %arg8[%rem3A_68] : memref<24x!tpu.dma_semaphore, #tpu.memory_space<semaphore_mem>> -> memref<1x!tpu.dma_semaphore, #tpu.memory_space<semaphore_mem>>
        %dma_start3A_88 = tpu.memref_squeeze %dma_start3A_87 : memref<1x!tpu.dma_semaphore, #tpu.memory_space<semaphore_mem>> -> memref<!tpu.dma_semaphore, #tpu.memory_space<semaphore_mem>>
        %dma_start3A_89 = arith.constant 0 : i32
        %dma_start3A_90 = arith.constant 0 : i32
        %dma_start3A_91 = tpu.memref_slice %arg6[%rem3A_68, %dma_start3A_89, %dma_start3A_90] : memref<24x32x128xf32, #tpu.memory_space<vmem>> -> memref<1x32x128xf32, #tpu.memory_space<vmem>>
        %dma_start3A_92 = tpu.memref_squeeze %dma_start3A_91 : memref<1x32x128xf32, #tpu.memory_space<vmem>> -> memref<32x128xf32, #tpu.memory_space<vmem>>
        %dma_start3A_93 = arith.constant 0 : i32
        %dma_start3A_94 = tpu.memref_slice %arg2[%dma_start3A_93, %multiple_of3A] : memref<32x1000000xf32, #tpu.memory_space<hbm>> -> memref<32x128xf32, #tpu.memory_space<hbm>>
        tpu.enqueue_dma source(%dma_start3A_94 : memref<32x128xf32, #tpu.memory_space<hbm>>) target(%dma_start3A_92 : memref<32x128xf32, #tpu.memory_space<vmem>>) target_semaphore(%dma_start3A_88 : memref<!tpu.dma_semaphore, #tpu.memory_space<semaphore_mem>>)
      } else {
      }
      %dma_wait3A = arith.constant 0 : i32
      %dma_wait3A_33 = arith.constant 0 : i32
      %dma_wait3A_34 = arith.constant 0 : i32
      %dma_wait3A_35 = tpu.memref_slice %arg6[%dma_wait3A, %dma_wait3A_33, %dma_wait3A_34] : memref<24x32x128xf32, #tpu.memory_space<vmem>> -> memref<1x32x128xf32, #tpu.memory_space<vmem>>
      %dma_wait3A_36 = tpu.memref_squeeze %dma_wait3A_35 : memref<1x32x128xf32, #tpu.memory_space<vmem>> -> memref<32x128xf32, #tpu.memory_space<vmem>>
      %dma_wait3A_37 = arith.constant 0 : i32
      %dma_wait3A_38 = arith.constant 0 : i32
      %dma_wait3A_39 = tpu.memref_slice %arg2[%dma_wait3A_37, %dma_wait3A_38] : memref<32x1000000xf32, #tpu.memory_space<hbm>> -> memref<32x128xf32, #tpu.memory_space<hbm>>
      %dma_wait3A_40 = tpu.memref_slice %arg8[%rem3A_27] : memref<24x!tpu.dma_semaphore, #tpu.memory_space<semaphore_mem>> -> memref<1x!tpu.dma_semaphore, #tpu.memory_space<semaphore_mem>>
      %dma_wait3A_41 = tpu.memref_squeeze %dma_wait3A_40 : memref<1x!tpu.dma_semaphore, #tpu.memory_space<semaphore_mem>> -> memref<!tpu.dma_semaphore, #tpu.memory_space<semaphore_mem>>
      %dma_wait3A_42 = arith.constant 0 : i32
      %dma_wait3A_43 = arith.constant 0 : i32
      %dma_wait3A_44 = tpu.memref_slice %arg6[%dma_wait3A, %dma_wait3A_42, %dma_wait3A_43] : memref<24x32x128xf32, #tpu.memory_space<vmem>> -> memref<1x32x128xf32, #tpu.memory_space<vmem>>
      %dma_wait3A_45 = tpu.memref_squeeze %dma_wait3A_44 : memref<1x32x128xf32, #tpu.memory_space<vmem>> -> memref<32x128xf32, #tpu.memory_space<vmem>>
      %dma_wait3A_46 = arith.constant 0 : i32
      %dma_wait3A_47 = arith.constant 0 : i32
      %dma_wait3A_48 = tpu.memref_slice %arg2[%dma_wait3A_46, %dma_wait3A_47] : memref<32x1000000xf32, #tpu.memory_space<hbm>> -> memref<32x128xf32, #tpu.memory_space<hbm>>
      tpu.wait_dma2 semaphore(%dma_wait3A_41 : memref<!tpu.dma_semaphore, #tpu.memory_space<semaphore_mem>>) src(%dma_wait3A_48 : memref<32x128xf32, #tpu.memory_space<hbm>>) dst(%dma_wait3A_45 : memref<32x128xf32, #tpu.memory_space<vmem>>)
      %broadcast_in_dim3A = vector.broadcast %scan3A_26 : i32 to vector<16xi32>
      %gather3A = tpu.vector_load_idx %arg5[%broadcast_in_dim3A] : memref<512xi32, #tpu.memory_space<vmem>>[vector<16xi32>], vector<16xi32>,
      %and3A = arith.constant 127 : i32
      %and3A_49 = vector.broadcast %and3A : i32 to vector<16xi32>
      %and3A_50 = arith.andi %gather3A, %and3A_49 : vector<16xi32>
      %broadcast_in_dim3A_51 = vector.broadcast %rem3A_27 : i32 to vector<16xi32>
      %shift_right_arithmetic3A = arith.constant 7 : i32
      %shift_right_arithmetic3A_52 = arith.shrsi %scan3A_26, %shift_right_arithmetic3A : i32
      %broadcast_in_dim3A_53 = vector.broadcast %shift_right_arithmetic3A_52 : i32 to vector<16xi32>
      %and3A_54 = arith.constant 127 : i32
      %and3A_55 = arith.andi %scan3A_26, %and3A_54 : i32
      %broadcast_in_dim3A_56 = vector.broadcast %and3A_55 : i32 to vector<16xi32>
      %gather3A_57 = tpu.vector_load_idx %arg6[%broadcast_in_dim3A_51, %iota3A, %and3A_50] : memref<24x32x128xf32, #tpu.memory_space<vmem>>[vector<16xi32>, vector<16xi32>, vector<16xi32>], vector<16xf32>,
      %gather3A_58 = tpu.vector_load_idx %arg6[%broadcast_in_dim3A_51, %add3A_5, %and3A_50] : memref<24x32x128xf32, #tpu.memory_space<vmem>>[vector<16xi32>, vector<16xi32>, vector<16xi32>], vector<16xf32>,
      tpu.vector_store_idx %arg7[%broadcast_in_dim3A_53, %iota3A, %broadcast_in_dim3A_56], %gather3A_57 : memref<4x32x128xf32, #tpu.memory_space<vmem>>[vector<16xi32>, vector<16xi32>, vector<16xi32>], vector<16xf32>,
      tpu.vector_store_idx %arg7[%broadcast_in_dim3A_53, %add3A_5, %broadcast_in_dim3A_56], %gather3A_58 : memref<4x32x128xf32, #tpu.memory_space<vmem>>[vector<16xi32>, vector<16xi32>, vector<16xi32>], vector<16xf32>,
    }
    %scan3A_14 = arith.constant 512 : i32
    %add3A_15 = arith.constant 0 : i32
    %add3A_16 = arith.addi %mul3A_2, %add3A_15 : i32
    %run_scoped3A = arith.constant 0 : i32
    "tpu.region"() ({
      %run_scoped3A_26 = tpu.sem_alloc : memref<!tpu.dma_semaphore, #tpu.memory_space<semaphore_mem>>
      %dma_start3A = arith.constant 0 : i32
      %dma_start3A_27 = arith.constant 0 : i32
      %dma_start3A_28 = tpu.memref_slice %arg7[%run_scoped3A, %dma_start3A, %dma_start3A_27] : memref<4x32x128xf32, #tpu.memory_space<vmem>> -> memref<1x32x128xf32, #tpu.memory_space<vmem>>
      %dma_start3A_29 = tpu.memref_squeeze %dma_start3A_28 : memref<1x32x128xf32, #tpu.memory_space<vmem>> -> memref<32x128xf32, #tpu.memory_space<vmem>>
      %dma_start3A_30 = arith.constant 0 : i32
      %dma_start3A_31 = tpu.memref_slice %arg4[%dma_start3A_30, %add3A_16] : memref<32x16384xf32, #tpu.memory_space<hbm>> -> memref<32x128xf32, #tpu.memory_space<hbm>>
      %dma_start3A_32 = arith.constant 0 : i32
      %dma_start3A_33 = tpu.memref_slice %arg4[%dma_start3A_32, %add3A_16] : memref<32x16384xf32, #tpu.memory_space<hbm>> -> memref<32x128xf32, #tpu.memory_space<hbm>>
      %dma_start3A_34 = arith.constant 0 : i32
      %dma_start3A_35 = arith.constant 0 : i32
      %dma_start3A_36 = tpu.memref_slice %arg7[%run_scoped3A, %dma_start3A_34, %dma_start3A_35] : memref<4x32x128xf32, #tpu.memory_space<vmem>> -> memref<1x32x128xf32, #tpu.memory_space<vmem>>
      %dma_start3A_37 = tpu.memref_squeeze %dma_start3A_36 : memref<1x32x128xf32, #tpu.memory_space<vmem>> -> memref<32x128xf32, #tpu.memory_space<vmem>>
      tpu.enqueue_dma source(%dma_start3A_37 : memref<32x128xf32, #tpu.memory_space<vmem>>) target(%dma_start3A_33 : memref<32x128xf32, #tpu.memory_space<hbm>>) target_semaphore(%run_scoped3A_26 : memref<!tpu.dma_semaphore, #tpu.memory_space<semaphore_mem>>)
      %dma_wait3A = arith.constant 0 : i32
      %dma_wait3A_38 = arith.constant 0 : i32
      %dma_wait3A_39 = tpu.memref_slice %arg7[%run_scoped3A, %dma_wait3A, %dma_wait3A_38] : memref<4x32x128xf32, #tpu.memory_space<vmem>> -> memref<1x32x128xf32, #tpu.memory_space<vmem>>
      %dma_wait3A_40 = tpu.memref_squeeze %dma_wait3A_39 : memref<1x32x128xf32, #tpu.memory_space<vmem>> -> memref<32x128xf32, #tpu.memory_space<vmem>>
      %dma_wait3A_41 = arith.constant 0 : i32
      %dma_wait3A_42 = tpu.memref_slice %arg4[%dma_wait3A_41, %add3A_16] : memref<32x16384xf32, #tpu.memory_space<hbm>> -> memref<32x128xf32, #tpu.memory_space<hbm>>
      %dma_wait3A_43 = arith.constant 0 : i32
      %dma_wait3A_44 = tpu.memref_slice %arg4[%dma_wait3A_43, %add3A_16] : memref<32x16384xf32, #tpu.memory_space<hbm>> -> memref<32x128xf32, #tpu.memory_space<hbm>>
      %dma_wait3A_45 = arith.constant 0 : i32
      %dma_wait3A_46 = arith.constant 0 : i32
      %dma_wait3A_47 = tpu.memref_slice %arg7[%run_scoped3A, %dma_wait3A_45, %dma_wait3A_46] : memref<4x32x128xf32, #tpu.memory_space<vmem>> -> memref<1x32x128xf32, #tpu.memory_space<vmem>>
      %dma_wait3A_48 = tpu.memref_squeeze %dma_wait3A_47 : memref<1x32x128xf32, #tpu.memory_space<vmem>> -> memref<32x128xf32, #tpu.memory_space<vmem>>
      tpu.wait_dma2 semaphore(%run_scoped3A_26 : memref<!tpu.dma_semaphore, #tpu.memory_space<semaphore_mem>>) src(%dma_wait3A_48 : memref<32x128xf32, #tpu.memory_space<vmem>>) dst(%dma_wait3A_44 : memref<32x128xf32, #tpu.memory_space<hbm>>)
      tpu.yield
    }) : () -> ()
    %add3A_17 = arith.constant 128 : i32
    %add3A_18 = arith.addi %mul3A_2, %add3A_17 : i32
    %run_scoped3A_19 = arith.constant 1 : i32
    "tpu.region"() ({
      %run_scoped3A_26 = tpu.sem_alloc : memref<!tpu.dma_semaphore, #tpu.memory_space<semaphore_mem>>
      %dma_start3A = arith.constant 0 : i32
      %dma_start3A_27 = arith.constant 0 : i32
      %dma_start3A_28 = tpu.memref_slice %arg7[%run_scoped3A_19, %dma_start3A, %dma_start3A_27] : memref<4x32x128xf32, #tpu.memory_space<vmem>> -> memref<1x32x128xf32, #tpu.memory_space<vmem>>
      %dma_start3A_29 = tpu.memref_squeeze %dma_start3A_28 : memref<1x32x128xf32, #tpu.memory_space<vmem>> -> memref<32x128xf32, #tpu.memory_space<vmem>>
      %dma_start3A_30 = arith.constant 0 : i32
      %dma_start3A_31 = tpu.memref_slice %arg4[%dma_start3A_30, %add3A_18] : memref<32x16384xf32, #tpu.memory_space<hbm>> -> memref<32x128xf32, #tpu.memory_space<hbm>>
      %dma_start3A_32 = arith.constant 0 : i32
      %dma_start3A_33 = tpu.memref_slice %arg4[%dma_start3A_32, %add3A_18] : memref<32x16384xf32, #tpu.memory_space<hbm>> -> memref<32x128xf32, #tpu.memory_space<hbm>>
      %dma_start3A_34 = arith.constant 0 : i32
      %dma_start3A_35 = arith.constant 0 : i32
      %dma_start3A_36 = tpu.memref_slice %arg7[%run_scoped3A_19, %dma_start3A_34, %dma_start3A_35] : memref<4x32x128xf32, #tpu.memory_space<vmem>> -> memref<1x32x128xf32, #tpu.memory_space<vmem>>
      %dma_start3A_37 = tpu.memref_squeeze %dma_start3A_36 : memref<1x32x128xf32, #tpu.memory_space<vmem>> -> memref<32x128xf32, #tpu.memory_space<vmem>>
      tpu.enqueue_dma source(%dma_start3A_37 : memref<32x128xf32, #tpu.memory_space<vmem>>) target(%dma_start3A_33 : memref<32x128xf32, #tpu.memory_space<hbm>>) target_semaphore(%run_scoped3A_26 : memref<!tpu.dma_semaphore, #tpu.memory_space<semaphore_mem>>)
      %dma_wait3A = arith.constant 0 : i32
      %dma_wait3A_38 = arith.constant 0 : i32
      %dma_wait3A_39 = tpu.memref_slice %arg7[%run_scoped3A_19, %dma_wait3A, %dma_wait3A_38] : memref<4x32x128xf32, #tpu.memory_space<vmem>> -> memref<1x32x128xf32, #tpu.memory_space<vmem>>
      %dma_wait3A_40 = tpu.memref_squeeze %dma_wait3A_39 : memref<1x32x128xf32, #tpu.memory_space<vmem>> -> memref<32x128xf32, #tpu.memory_space<vmem>>
      %dma_wait3A_41 = arith.constant 0 : i32
      %dma_wait3A_42 = tpu.memref_slice %arg4[%dma_wait3A_41, %add3A_18] : memref<32x16384xf32, #tpu.memory_space<hbm>> -> memref<32x128xf32, #tpu.memory_space<hbm>>
      %dma_wait3A_43 = arith.constant 0 : i32
      %dma_wait3A_44 = tpu.memref_slice %arg4[%dma_wait3A_43, %add3A_18] : memref<32x16384xf32, #tpu.memory_space<hbm>> -> memref<32x128xf32, #tpu.memory_space<hbm>>
      %dma_wait3A_45 = arith.constant 0 : i32
      %dma_wait3A_46 = arith.constant 0 : i32
      %dma_wait3A_47 = tpu.memref_slice %arg7[%run_scoped3A_19, %dma_wait3A_45, %dma_wait3A_46] : memref<4x32x128xf32, #tpu.memory_space<vmem>> -> memref<1x32x128xf32, #tpu.memory_space<vmem>>
      %dma_wait3A_48 = tpu.memref_squeeze %dma_wait3A_47 : memref<1x32x128xf32, #tpu.memory_space<vmem>> -> memref<32x128xf32, #tpu.memory_space<vmem>>
      tpu.wait_dma2 semaphore(%run_scoped3A_26 : memref<!tpu.dma_semaphore, #tpu.memory_space<semaphore_mem>>) src(%dma_wait3A_48 : memref<32x128xf32, #tpu.memory_space<vmem>>) dst(%dma_wait3A_44 : memref<32x128xf32, #tpu.memory_space<hbm>>)
      tpu.yield
    }) : () -> ()
    %add3A_20 = arith.constant 256 : i32
    %add3A_21 = arith.addi %mul3A_2, %add3A_20 : i32
    %run_scoped3A_22 = arith.constant 2 : i32
    "tpu.region"() ({
      %run_scoped3A_26 = tpu.sem_alloc : memref<!tpu.dma_semaphore, #tpu.memory_space<semaphore_mem>>
      %dma_start3A = arith.constant 0 : i32
      %dma_start3A_27 = arith.constant 0 : i32
      %dma_start3A_28 = tpu.memref_slice %arg7[%run_scoped3A_22, %dma_start3A, %dma_start3A_27] : memref<4x32x128xf32, #tpu.memory_space<vmem>> -> memref<1x32x128xf32, #tpu.memory_space<vmem>>
      %dma_start3A_29 = tpu.memref_squeeze %dma_start3A_28 : memref<1x32x128xf32, #tpu.memory_space<vmem>> -> memref<32x128xf32, #tpu.memory_space<vmem>>
      %dma_start3A_30 = arith.constant 0 : i32
      %dma_start3A_31 = tpu.memref_slice %arg4[%dma_start3A_30, %add3A_21] : memref<32x16384xf32, #tpu.memory_space<hbm>> -> memref<32x128xf32, #tpu.memory_space<hbm>>
      %dma_start3A_32 = arith.constant 0 : i32
      %dma_start3A_33 = tpu.memref_slice %arg4[%dma_start3A_32, %add3A_21] : memref<32x16384xf32, #tpu.memory_space<hbm>> -> memref<32x128xf32, #tpu.memory_space<hbm>>
      %dma_start3A_34 = arith.constant 0 : i32
      %dma_start3A_35 = arith.constant 0 : i32
      %dma_start3A_36 = tpu.memref_slice %arg7[%run_scoped3A_22, %dma_start3A_34, %dma_start3A_35] : memref<4x32x128xf32, #tpu.memory_space<vmem>> -> memref<1x32x128xf32, #tpu.memory_space<vmem>>
      %dma_start3A_37 = tpu.memref_squeeze %dma_start3A_36 : memref<1x32x128xf32, #tpu.memory_space<vmem>> -> memref<32x128xf32, #tpu.memory_space<vmem>>
      tpu.enqueue_dma source(%dma_start3A_37 : memref<32x128xf32, #tpu.memory_space<vmem>>) target(%dma_start3A_33 : memref<32x128xf32, #tpu.memory_space<hbm>>) target_semaphore(%run_scoped3A_26 : memref<!tpu.dma_semaphore, #tpu.memory_space<semaphore_mem>>)
      %dma_wait3A = arith.constant 0 : i32
      %dma_wait3A_38 = arith.constant 0 : i32
      %dma_wait3A_39 = tpu.memref_slice %arg7[%run_scoped3A_22, %dma_wait3A, %dma_wait3A_38] : memref<4x32x128xf32, #tpu.memory_space<vmem>> -> memref<1x32x128xf32, #tpu.memory_space<vmem>>
      %dma_wait3A_40 = tpu.memref_squeeze %dma_wait3A_39 : memref<1x32x128xf32, #tpu.memory_space<vmem>> -> memref<32x128xf32, #tpu.memory_space<vmem>>
      %dma_wait3A_41 = arith.constant 0 : i32
      %dma_wait3A_42 = tpu.memref_slice %arg4[%dma_wait3A_41, %add3A_21] : memref<32x16384xf32, #tpu.memory_space<hbm>> -> memref<32x128xf32, #tpu.memory_space<hbm>>
      %dma_wait3A_43 = arith.constant 0 : i32
      %dma_wait3A_44 = tpu.memref_slice %arg4[%dma_wait3A_43, %add3A_21] : memref<32x16384xf32, #tpu.memory_space<hbm>> -> memref<32x128xf32, #tpu.memory_space<hbm>>
      %dma_wait3A_45 = arith.constant 0 : i32
      %dma_wait3A_46 = arith.constant 0 : i32
      %dma_wait3A_47 = tpu.memref_slice %arg7[%run_scoped3A_22, %dma_wait3A_45, %dma_wait3A_46] : memref<4x32x128xf32, #tpu.memory_space<vmem>> -> memref<1x32x128xf32, #tpu.memory_space<vmem>>
      %dma_wait3A_48 = tpu.memref_squeeze %dma_wait3A_47 : memref<1x32x128xf32, #tpu.memory_space<vmem>> -> memref<32x128xf32, #tpu.memory_space<vmem>>
      tpu.wait_dma2 semaphore(%run_scoped3A_26 : memref<!tpu.dma_semaphore, #tpu.memory_space<semaphore_mem>>) src(%dma_wait3A_48 : memref<32x128xf32, #tpu.memory_space<vmem>>) dst(%dma_wait3A_44 : memref<32x128xf32, #tpu.memory_space<hbm>>)
      tpu.yield
    }) : () -> ()
    %add3A_23 = arith.constant 384 : i32
    %add3A_24 = arith.addi %mul3A_2, %add3A_23 : i32
    %run_scoped3A_25 = arith.constant 3 : i32
    "tpu.region"() ({
      %run_scoped3A_26 = tpu.sem_alloc : memref<!tpu.dma_semaphore, #tpu.memory_space<semaphore_mem>>
      %dma_start3A = arith.constant 0 : i32
      %dma_start3A_27 = arith.constant 0 : i32
      %dma_start3A_28 = tpu.memref_slice %arg7[%run_scoped3A_25, %dma_start3A, %dma_start3A_27] : memref<4x32x128xf32, #tpu.memory_space<vmem>> -> memref<1x32x128xf32, #tpu.memory_space<vmem>>
      %dma_start3A_29 = tpu.memref_squeeze %dma_start3A_28 : memref<1x32x128xf32, #tpu.memory_space<vmem>> -> memref<32x128xf32, #tpu.memory_space<vmem>>
      %dma_start3A_30 = arith.constant 0 : i32
      %dma_start3A_31 = tpu.memref_slice %arg4[%dma_start3A_30, %add3A_24] : memref<32x16384xf32, #tpu.memory_space<hbm>> -> memref<32x128xf32, #tpu.memory_space<hbm>>
      %dma_start3A_32 = arith.constant 0 : i32
      %dma_start3A_33 = tpu.memref_slice %arg4[%dma_start3A_32, %add3A_24] : memref<32x16384xf32, #tpu.memory_space<hbm>> -> memref<32x128xf32, #tpu.memory_space<hbm>>
      %dma_start3A_34 = arith.constant 0 : i32
      %dma_start3A_35 = arith.constant 0 : i32
      %dma_start3A_36 = tpu.memref_slice %arg7[%run_scoped3A_25, %dma_start3A_34, %dma_start3A_35] : memref<4x32x128xf32, #tpu.memory_space<vmem>> -> memref<1x32x128xf32, #tpu.memory_space<vmem>>
      %dma_start3A_37 = tpu.memref_squeeze %dma_start3A_36 : memref<1x32x128xf32, #tpu.memory_space<vmem>> -> memref<32x128xf32, #tpu.memory_space<vmem>>
      tpu.enqueue_dma source(%dma_start3A_37 : memref<32x128xf32, #tpu.memory_space<vmem>>) target(%dma_start3A_33 : memref<32x128xf32, #tpu.memory_space<hbm>>) target_semaphore(%run_scoped3A_26 : memref<!tpu.dma_semaphore, #tpu.memory_space<semaphore_mem>>)
      %dma_wait3A = arith.constant 0 : i32
      %dma_wait3A_38 = arith.constant 0 : i32
      %dma_wait3A_39 = tpu.memref_slice %arg7[%run_scoped3A_25, %dma_wait3A, %dma_wait3A_38] : memref<4x32x128xf32, #tpu.memory_space<vmem>> -> memref<1x32x128xf32, #tpu.memory_space<vmem>>
      %dma_wait3A_40 = tpu.memref_squeeze %dma_wait3A_39 : memref<1x32x128xf32, #tpu.memory_space<vmem>> -> memref<32x128xf32, #tpu.memory_space<vmem>>
      %dma_wait3A_41 = arith.constant 0 : i32
      %dma_wait3A_42 = tpu.memref_slice %arg4[%dma_wait3A_41, %add3A_24] : memref<32x16384xf32, #tpu.memory_space<hbm>> -> memref<32x128xf32, #tpu.memory_space<hbm>>
      %dma_wait3A_43 = arith.constant 0 : i32
      %dma_wait3A_44 = tpu.memref_slice %arg4[%dma_wait3A_43, %add3A_24] : memref<32x16384xf32, #tpu.memory_space<hbm>> -> memref<32x128xf32, #tpu.memory_space<hbm>>
      %dma_wait3A_45 = arith.constant 0 : i32
      %dma_wait3A_46 = arith.constant 0 : i32
      %dma_wait3A_47 = tpu.memref_slice %arg7[%run_scoped3A_25, %dma_wait3A_45, %dma_wait3A_46] : memref<4x32x128xf32, #tpu.memory_space<vmem>> -> memref<1x32x128xf32, #tpu.memory_space<vmem>>
      %dma_wait3A_48 = tpu.memref_squeeze %dma_wait3A_47 : memref<1x32x128xf32, #tpu.memory_space<vmem>> -> memref<32x128xf32, #tpu.memory_space<vmem>>
      tpu.wait_dma2 semaphore(%run_scoped3A_26 : memref<!tpu.dma_semaphore, #tpu.memory_space<semaphore_mem>>) src(%dma_wait3A_48 : memref<32x128xf32, #tpu.memory_space<vmem>>) dst(%dma_wait3A_44 : memref<32x128xf32, #tpu.memory_space<hbm>>)
      tpu.yield
    }) : () -> ()
    return
  }
}

</mosaic_0001>

<sc_bundles>
// kernel: kernel.3.cloned.1.call-start
scs
__scs_entry_jumppad:
0x0: {  	(pc) =	sbr.rel $0x88, $3  }
0x1: {  	(tag) =	ssettag $0x0;
	lr =	simm.s32 $0x1  }
0x2: {  	[smem:$0x3F9F] =	sst lr;
	_ =	strace $0xD0000000  }
0x3: {  	_ = 	snop  }
0x4: {  	_ = 	snop  }
0x5: {  	_ = 	snop  }
0x6: {  	_ = 	snop  }
0x7: {  	_ = 	snop  }
__scs_overlays_trampoline_lowered:
0x8: {  	[smem:$0x3FAE] =	sst s0  }
0x9: {  	[smem:$0x3FAF] =	sst s1  }
0xa: {  	[smem:$0x3FB0] =	sst s2  }
0xb: {  	[smem:$0x3FB1] =	sst s3  }
0xc: {  	[smem:$0x3FB2] =	sst s4  }
0xd: {  	[smem:$0x3FB3] =	sst s5  }
0xe: {  	[smem:$0x3FB4] =	sst s6  }
0xf: {  	[smem:$0x3FB5] =	sst s7  }
0x10: {  	[smem:$0x3FB6] =	sst s8  }
0x11: {  	[smem:$0x3FB7] =	sst s9;
	s0 =	simm.s32 @!p0 $0x0  }
0x12: {  	s1 =	sld [smem:$0x3F9D];
	s0 =	simm.s32 @p0 $0x1  }
0x13: {  	[smem:$0x3FB8] =	sst s0;
	s0 =	simm.s32 @!p1 $0x0  }
0x14: {  	s2 =	sld [smem:$0x3F9C];
	s0 =	simm.s32 @p1 $0x1  }
0x15: {  	[smem:$0x3FB9] =	sst s0;
	s0 =	simm.s32 @!p2 $0x0  }
0x16: {  	s3 =	sld [smem:$0x3FDB];
	s0 =	simm.s32 @p2 $0x1  }
0x17: {  	s4 =	simm.s32 $0x1BF5;
	[smem:$0x3FBB] =	sst s0  }
0x18: {  	s0 =	sld [smem:$0x3F9E];
	_ =	swait.ge [sflag:s4], $0x0  }
0x19: {  	s7 =	sld [smem:$0x3F9F]  }
0x1a: {  	s8 =	sadd.s32 $0xFFFFE003, lr  }
0x1b: {  	s9 =	sadd.s32 $0xFFFFFEF7, lr;
	s5 =	simm.s32 $0xFFFFFFFF;
	p2 =	slt.u32 s8, $0xFFFFF086  }
0x1c: {  	p1 =	slt.u32 s9, $0xF7A;
	s5 =	simm.s32 @!p2 $0x0  }
0x1d: {  	s5 =	simm.s32 @p1 $0x1;
	p0 =	seq.s32 s7, s2  }
0x1e: {  	s7 =	smul.u32 @!p0 $0xF7A, s2;
	p2 =	seq.s32 @!p0 s5, $0x0  }
0x1f: {  	s9 =	smul.u32 $0xF7A, s1;
	s8 =	simm.s32 @!p0 $0x1BF5;
	p2 =	por !p2, p0  }
0x20: {  	[sflag:s8] =	ssyncset.s32 @!p0 $0xFFFFF086;
	s6 =	sadd.s32 @!p0 s3, s7;
	s7 =	simm.s32 @!p0 $0x108  }
0x21: {  	s3 =	sadd.s32 s3, s9;
	s6 =	sadd.s32 @!p0 $0x88, s6;
	s7 =	simm.s32 @p2 $0x1082  }
0x22: {  	[simem:s7], [sflag:s8] =	dma.local @!p0 [hbm:s6], $0xF7A  }
0x23: {  	s9 =	sor.u32 $0xD0000000, s2;
	s6 =	simm.s32 $0x108;
	_ =	swait.ge @!p0 [sflag:s8], $0x0  }
0x24: {  	s3 =	sadd.s32 $0x88, s3;
	s6 =	simm.s32 @!p1 $0x1082;
	[sflag:s4] =	ssyncset.s32 $0xFFFFF086  }
0x25: {  	[simem:s6], [sflag:s4] =	dma.local [hbm:s3], $0xF7A  }
0x26: {  	[smem:$0x3F9F] =	sst s1;
	(tag) =	ssettag s2;
	_ =	strace s9  }
0x27: {  	s1 =	sld [smem:$0x3FAF]  }
0x28: {  	s2 =	sld [smem:$0x3FB0]  }
0x29: {  	s4 =	sld [smem:$0x3FB2]  }
0x2a: {  	p0 =	seq.s32 s5, $0x0;
	s5 =	sld [smem:$0x3FB3]  }
0x2b: {  	s6 =	sld [smem:$0x3FB4]  }
0x2c: {  	s7 =	sld [smem:$0x3FB5]  }
0x2d: {  	s3 =	simm.s32 $0x108;
	s8 =	sld [smem:$0x3FB6]  }
0x2e: {  	s3 =	simm.s32 @!p0 $0x1082;
	s9 =	sld [smem:$0x3FB7]  }
0x2f: {  	lr =	sadd.s32 s0, s3;
	s0 =	sld [smem:$0x3FAE]  }
0x30: {  	s3 =	sld [smem:$0x3FB1]  }
0x31: {  	[smem:$0x3FBA] =	sst s10  }
0x32: {  	s10 =	sld [smem:$0x3FB8];
	_ =	sdelay $0x3  }
0x33: {  	p0 =	seq.s32 s10, $0x1;
	s10 =	sld [smem:$0x3FBA];
	_ =	sdelay $0x3  }
0x34: {  	[smem:$0x3FBA] =	sst s10  }
0x35: {  	s10 =	sld [smem:$0x3FB9];
	_ =	sdelay $0x3  }
0x36: {  	p1 =	seq.s32 s10, $0x1;
	s10 =	sld [smem:$0x3FBA];
	_ =	sdelay $0x3  }
0x37: {  	[smem:$0x3FBA] =	sst s10  }
0x38: {  	s10 =	sld [smem:$0x3FBB]  }
0x39: {  	_ = 	snop;
	(pc) =	sbr.ind lr, $3  }
0x3a: {  	_ = 	snop  }
0x3b: {  	_ = 	snop  }
0x3c: {  	p2 =	seq.s32 s10, $0x1;
	s10 =	sld [smem:$0x3FBA]  }
0x3d: {  	_ =	shalt  }
0x3e: {  	_ =	shalt  }
0x3f: {  	_ =	shalt  }
0x40: {  	_ =	shalt  }
0x41: {  	_ =	shalt  }
0x42: {  	_ =	shalt  }
0x43: {  	_ =	shalt  }
0x44: {  	_ =	shalt  }
0x45: {  	_ =	shalt  }
0x46: {  	_ =	shalt  }
0x47: {  	_ =	shalt  }
0x48: {  	_ =	shalt  }
0x49: {  	_ =	shalt  }
0x4a: {  	_ =	shalt  }
0x4b: {  	_ =	shalt  }
0x4c: {  	_ =	shalt  }
0x4d: {  	_ =	shalt  }
0x4e: {  	_ =	shalt  }
0x4f: {  	_ =	shalt  }
0x50: {  	_ =	shalt  }
0x51: {  	_ =	shalt  }
0x52: {  	_ =	shalt  }
0x53: {  	_ =	shalt  }
0x54: {  	_ =	shalt  }
0x55: {  	_ =	shalt  }
0x56: {  	_ =	shalt  }
0x57: {  	_ =	shalt  }
0x58: {  	_ =	shalt  }
0x59: {  	_ =	shalt  }
0x5a: {  	_ =	shalt  }
0x5b: {  	_ =	shalt  }
0x5c: {  	_ =	shalt  }
0x5d: {  	_ =	shalt  }
0x5e: {  	_ =	shalt  }
0x5f: {  	_ =	shalt  }
0x60: {  	_ =	shalt  }
0x61: {  	_ =	shalt  }
0x62: {  	_ =	shalt  }
0x63: {  	_ =	shalt  }
0x64: {  	_ =	shalt  }
0x65: {  	_ =	shalt  }
0x66: {  	_ =	shalt  }
0x67: {  	_ =	shalt  }
0x68: {  	_ =	shalt  }
0x69: {  	_ =	shalt  }
0x6a: {  	_ =	shalt  }
0x6b: {  	_ =	shalt  }
0x6c: {  	_ =	shalt  }
0x6d: {  	_ =	shalt  }
0x6e: {  	_ =	shalt  }
0x6f: {  	_ =	shalt  }
0x70: {  	_ =	shalt  }
0x71: {  	_ =	shalt  }
0x72: {  	_ =	shalt  }
0x73: {  	_ =	shalt  }
0x74: {  	_ =	shalt  }
0x75: {  	_ =	shalt  }
0x76: {  	_ =	shalt  }
0x77: {  	_ =	shalt  }
0x78: {  	_ =	shalt  }
0x79: {  	_ =	shalt  }
0x7a: {  	_ =	shalt  }
0x7b: {  	_ =	shalt  }
0x7c: {  	_ =	shalt  }
0x7d: {  	_ =	shalt  }
0x7e: {  	_ =	shalt  }
0x7f: {  	_ =	shalt  }
0x80: {  	_ =	shalt  }
0x81: {  	_ =	shalt  }
0x82: {  	_ =	shalt  }
0x83: {  	_ =	shalt  }
0x84: {  	_ =	shalt  }
0x85: {  	_ =	shalt  }
0x86: {  	_ =	shalt  }
0x87: {  	_ =	shalt  }
.Lfunc_end0:
.L_simem_size_0:
called_computation_lowered:
.L_overlay_start_0:
0x88: {  	s2 =	sld [smem:$0x3FD9]  }
0x89: {  	s3 =	sld [smem:$0x3FFE];
	_ =	sdelay $0x1  }
0x8a: {  	s1 =	srdreg.scid  }
0x8b: {  	s0 =	sand.u32 $0x1, s1  }
0x8c: {  	s18 =	sshll.u32 s0, $0xA;
	s2 =	sadd.s32 s3, s2  }
0x8d: {  	s2 =	sadd.s32 s2, s18  }
0x8e: {  	[smem:$0x3FC6] =	sst s2  }
0x8f: {  	_ = 	snop  }
0x90: {  	s2 =	sld [smem:$0x3FC9]  }
0x91: {  	s19 =	sld [smem:$0x3FC8]  }
0x92: {  	s4 =	sld [smem:$0x3FD0];
	(tm) =	ssettm $0x1  }
0x93: {  	s5 =	sld [smem:$0x3FFB];
	_ =	sdelay $0x3  }
0x94: {  	_ =	strace s5  }
0x95: {  	s5 =	sld [smem:$0x3FFC];
	_ =	sdelay $0x3  }
0x96: {  	_ =	strace s5  }
0x97: {  	s5 =	sld [smem:$0x3FFD];
	_ =	sdelay $0x3  }
0x98: {  	_ =	strace s5  }
0x99: {  	_ =	strace $0x8FFFFFFF  }
0x9a: {  	s20 =	sld [smem:$0x3FDB];
	_ =	sdelay $0x1  }
0x9b: {  	s6 =	simm.s32 $_scs_section_size  }
0x9c: {  	s7 =	simm.s32 $_size__tile_overlayer_lowered;
	s8 =	simm.s32 $_tile_overlayer_lowered  }
0x9d: {  	s23 =	simm.s32 $0x1BFF;
	s22 =	sshll.u32 s8, $0x1;
	s5 =	sadd.s32 s6, s20  }
0x9e: {  	s9 =	simm.s32 $0x0;
	s21 =	sshll.u32 s7, $0x1;
	s7 =	sadd.s32 s22, s5  }
0x9f: {  	[timem:s9], [sflag:s23] =	dma.local [hbm:s7], s21  }
0xa0: {  	_ =	swait.ge [sflag:s23], s21  }
0xa1: {  	s6 =	ssub.s32 $0x0, s21;
	[sflag:s23] =	ssyncset.done $0x0  }
0xa2: {  	[sflag:s23] =	ssyncadd.s32 s6;
	_ =	sdelay $0x1  }
0xa3: {  	s24 =	simm.s32 $0x1B8B  }
0xa4: {  	_ =	swait.ge [sflag:s24], $0x1  }
0xa5: {  	[sflag:s24] =	ssyncset.done $0x0  }
0xa6: {  	s25 =	simm.s32 $0x1B8E;
	[sflag:s24] =	ssyncadd.s32 $0xFFFFFFFF  }
0xa7: {  	s26 =	simm.s32 $execute0_lowered;
	[smem:$0x3FD2] =	sst s25  }
0xa8: {  	s6 =	sshll.u32 s26, $0x1;
	_ =	strace $0x80000046;
	[dreg:$0x1] =	wrdreg $0xFFFFFFFF  }
0xa9: {  	s28 =	simm.s32 $_size_execute0_lowered;
	s5 =	sadd.s32 s5, s6;
	[dreg:$0x0] =	wrdreg $0x0  }
0xaa: {  	s6 =	sshll.u32 s28, $0x1;
	[dreg:$0x2] =	wrdreg s5  }
0xab: {  	[dreg:$0x3] =	wrdreg s6  }
0xac: {  	[dreg:$0x4] =	wrdreg $0xC0  }
0xad: {  	_ =	task [dreg:s9], $0x5FFFF  }
0xae: {  	[dreg:$0x1] =	wrdreg $0xFFFFFFFF  }
0xaf: {  	[dreg:$0x0] =	wrdreg $0x60  }
0xb0: {  	[dreg:$0x2] =	wrdreg s19  }
0xb1: {  	[dreg:$0x3] =	wrdreg s2  }
0xb2: {  	[dreg:$0x4] =	wrdreg s4  }
0xb3: {  	[dreg:$0x5] =	wrdreg $0x9  }
0xb4: {  	_ =	task.clear_ibuf [dreg:s9], $0x6FFFF;
	_ =	strace $0x90000046  }
0xb5: {  	s29 =	simm.s32 $0x9;
	_ =	strace $0x80000048  }
0xb6: {  	_ =	swait.ge [sflag:s29], $0x1  }
0xb7: {  	[sflag:s29] =	ssyncadd.s32 $0xFFFFFFFF  }
0xb8: {  	_ =	strace $0x90000048  }
0xb9: {  	_ =	sfence  }
0xba: {  	s30 =	sld [smem:$0x0];
	_ =	sdelay $0x2  }
0xbb: {  	s31 =	sshll.u32 s1, $0xD;
	s1 =	sshrl.u32 s1, $0x2  }
0xbc: {  	s3 =	sand.u32 $0x4000, s31;
	s1 =	sadd.s32 s1, s30  }
0xbd: {  	s0 =	sor.u32 s3, s0;
	s1 =	sshll.u32 s1, $0x11  }
0xbe: {  	s0 =	sor.u32 s1, s0  }
0xbf: {  	s0 =	sadd.s32 $0x8F2B, s0  }
0xc0: {  	[sflag:s0] =	ssyncadd.remote.s32 $0x1  }
0xc1: {  	_ =	sfence.sel $0xFFFF  }
0xc2: {  	[dreg:$0x0] =	wrdreg $0xFFFFFFFF;
	(pc) =	sbr.abs _section_cstart, $3  }
0xc3: {  	[dreg:$0x1] =	wrdreg $0xFFFFFFFF  }
0xc4: {  	_ =	task.clear_ibuf [dreg:s9], $0x2FFFF;
	_ =	strace $0x9FFFFFFF  }
0xc5: {  	(tm) =	ssettm $0x7FFFFFFF  }
tec
execute0_lowered:
.L_overlay_start_1:
0x0: {  	(tag) =	ssettag $0x1  }
0x1: {  	s1 =	rddreg [dreg:$0x0]  }
0x2: {  	s5 =	rddreg [dreg:$0x1]  }
0x3: {  	s4 =	rddreg [dreg:$0x2]  }
0x4: {  	s0 =	rddreg [dreg:$0x3];
	s3 =	simm.s32 $0x0;
	s6 =	srdreg.scid  }
0x5: {  	s2 =	stileid.u32;
	s10 =	simm.s32 $0x19;
	s11 =	simm.s32 $0x400  }
0x6: {  	s12 =	simm.s32 $0x7A1400;
	s13 =	simm.s32 $0x200;
	s14 =	simm.s32 $0x18200  }
0x7: {  	s15 =	simm.s32 $0x20000;
	s16 =	simm.s32 $0x19200;
	s17 =	simm.s32 $0x1A200  }
0x8: {  	s18 =	simm.s32 $0x1B200;
	[smem:$0x7FF] =	sst s3;
	s6 =	sand.u32 $0x1, s6  }
0x9: {  	s8 =	sshll.u32 s2, $0xA;
	s7 =	ssub.s32 $0x2, s6;
	s6 =	sshll.u32 s6, $0x9  }
0xa: {  	v0 =	vlaneseq.u32;
	s19 =	simm.s32 $0x0;
	_ =	strace $0x80000047;
	s6 =	sor.u32 s6, s8  }
0xb: {  	v0 =	vmul.u32 $0x80, v0;
	s9 =	sshrl.u32 s7, $0x1;
	s31 =	sshrl.u32 s6, $0x3;
	s4 =	sadd.s32 s4, s6  }
0xc: {  	s9 =	ssub.s32 s7, s9;
	s5 =	sadd.s32 s5, s31;
	s6 =	sadd.s32 $0x80, s4  }
0xd: {  	v1 =	vor.u32 $0x800, v0;
	s7 =	sadd.s32 $0x100, s4;
	s8 =	sadd.s32 $0x180, s4;
	s9 =	smax.u32 s9, $0x1  }
.LBB2_1:
0xe: {  	v2 =	vmov s3  }
0xf: {  	[tilespmem:s3], [sflag:$0x19] =	stream.linear.gather [hbm4b:s5+s3], $0x200, $0x38;
	[tilespmem:$0x1C200] =	vst v63  }
0x10: {  	_ =	swait.ge [sflag:s10], $0x200  }
0x11: {  	[sflag:s10] =	ssyncset.done $0x0  }
0x12: {  	[sflag:s10] =	ssyncadd.s32 $0xFFFFFE00  }
0x13: {  	v2 =	vld.idx.msk [tilespmem:v2+s3+$0x0], $0xffff;
	_ =	sdelay $0x4  }
0x14: {  	v2 =	vxor.u32 $0x80000000, v2  }
0x15: {  	(xrf0) =	vmax.scan.msk.u32 $0xffff, v2;
	_ =	sdelay $0x5  }
0x16: {  	v2, _, _ =	vpop (xrf0)  }
0x17: {  	(v2sf) =	vpush v2, $0xF;
	_ =	sdelay $0xc  }
0x18: {  	s20 =	simm.s32 $0x1  }
0x19: {  	v2 =	vmov s20  }
0x1a: {  	s30 =	spop (v2sf)  }
0x1b: {  	s21 =	sand.u32 $0x1FFFFF80, s30  }
0x1c: {  	s20 =	simm.s32 $0x1;
	s21 =	sadd.s32 s1, s21  }
0x1d: {  	[tilespmem:s13], [sflag:s20] =	stream.strided.gather [hbm4b:s21+s11], $0x1000, s12, s11, $0x38;
	[tilespmem:$0x1C200] =	vst v63  }
0x1e: {  	v2 =	vld.idx.msk [tilespmem:v2+s3+$0x0], $0xffff;
	_ =	sdelay $0x4  }
0x1f: {  	v2 =	vxor.u32 $0x80000000, v2  }
0x20: {  	(xrf0) =	vmax.scan.msk.u32 $0xffff, v2;
	_ =	sdelay $0x5  }
0x21: {  	v2, _, _ =	vpop (xrf0)  }
0x22: {  	(v2sf) =	vpush v2, $0xF;
	_ =	sdelay $0xc  }
0x23: {  	s31 =	simm.s32 $0x2  }
0x24: {  	s23 =	simm.s32 $0x3;
	s22 =	simm.s32 $0x200;
	v2 =	vmov s31  }
.LBB2_2:
0x25: {  	p0 =	sne.s32 s23, $0x16;
	s21 =	spop (v2sf)  }
0x26: {  	s22 =	sadd.s32 $0x1000, s22;
	s24 =	sand.u32 $0x1FFFFF80, s21  }
0x27: {  	s20 =	sadd.s32 $0x1, s20;
	s21 =	simm.s32 $0x0;
	s24 =	sadd.s32 s1, s24  }
0x28: {  	[tilespmem:s22], [sflag:s20] =	stream.strided.gather [hbm4b:s24+s11], $0x1000, s12, s11, $0x38;
	[tilespmem:$0x1C200] =	vst v63  }
0x29: {  	v2 =	vld.idx.msk [tilespmem:v2+s21+$0x0], $0xffff;
	_ =	sdelay $0x5  }
0x2a: {  	v2 =	vxor.u32 $0x80000000, v2  }
0x2b: {  	(xrf0) =	vmax.scan.msk.u32 $0xffff, v2;
	_ =	sdelay $0x5  }
0x2c: {  	v2, _, _ =	vpop (xrf0)  }
0x2d: {  	(v2sf) =	vpush v2, $0xF;
	_ =	sdelay $0x9  }
.Ltmp0:
0x2e: {  	(pc) =	sbr.rel @p0 .LBB2_2-.Ltmp0, $2  }
0x2f: {  	_ =	sdelay $0x2  }
0x30: {  	v2 =	vmov s23;
	s23 =	sadd.s32 $0x1, s23  }
0x31: {  	s23 =	spop (v2sf)  }
0x32: {  	s23 =	sand.u32 $0x1FFFFF80, s23  }
0x33: {  	s22 =	sadd.s32 $0x1000, s22;
	s20 =	sadd.s32 $0x1, s20;
	s23 =	sadd.s32 s1, s23  }
0x34: {  	[tilespmem:s22], [sflag:s20] =	stream.strided.gather [hbm4b:s23+s11], $0x1000, s12, s11, $0x38;
	[tilespmem:$0x1C200] =	vst v63  }
0x35: {  	v2 =	vld.idx.msk [tilespmem:v2+s21+$0x0], $0xffff;
	_ =	sdelay $0x4  }
0x36: {  	v2 =	vxor.u32 $0x80000000, v2  }
0x37: {  	(xrf0) =	vmax.scan.msk.u32 $0xffff, v2;
	_ =	sdelay $0x5  }
0x38: {  	v2, _, _ =	vpop (xrf0)  }
0x39: {  	(v2sf) =	vpush v2, $0xF;
	_ =	sdelay $0xd  }
0x3a: {  	p0 =	por $0x0, $0x0  }
0x3b: {  	p2 =	por $0x1, $0x1;
	s22 =	sadd.s32 $0x1000, s22;
	s31 =	spop (v2sf)  }
.Ltmp1:
0x3c: {  	s23 =	simm.s32 @!p0 $0x17;
	s24 =	sand.u32 $0x1FFFFF80, s31;
	(pc) =	sbr.rel @!p2 .LBB2_4-.Ltmp1, $4  }
0x3d: {  	s20 =	sadd.s32 $0x1, s20;
	s25 =	smul.u32 @!p0 $0xAAAB, s23;
	s24 =	sadd.s32 s1, s24  }
0x3e: {  	[tilespmem:s22], [sflag:s20] =	stream.strided.gather [hbm4b:s24+s11], $0x1000, s12, s11, $0x38;
	[tilespmem:$0x1C200] =	vst v63  }
0x3f: {  	p1 =	por $0x0, $0x0;
	s22 =	sshrl.u32 @!p0 s25, $0x14  }
0x40: {  	v2 =	vmov @!p0 s23;
	s20 =	simm.s32 $0x1;
	s24 =	simm.s32 @!p0 $0x0;
	s25 =	smul.u32 @!p0 $0x18, s22  }
0x41: {  	_ =	sdelay $0x3  }
0x42: {  	v2 =	vld.idx.msk @!p0 [tilespmem:v2+s24+$0x0], $0xffff;
	_ =	sdelay $0x4  }
0x43: {  	v2 =	vxor.u32 @!p0 $0x80000000, v2  }
0x44: {  	(xrf0) =	vmax.scan.msk.u32 @!p0 $0xffff, v2;
	_ =	sdelay $0x5  }
0x45: {  	v2, _, _ =	vpop @!p0 (xrf0)  }
0x46: {  	(v2sf) =	vpush @!p0 v2, $0xF;
	_ =	sdelay $0x9  }
0x47: {  	s22 =	smul.u32 $0xAAAB, s21;
	_ =	sdelay $0x1  }
0x48: {  	s22 =	sshrl.u32 s22, $0x14  }
0x49: {  	s23 =	ssub.s32 @!p0 $0x17, s25;
	s22 =	smul.u32 $0x18, s22  }
0x4a: {  	s26 =	simm.s32 @!p0 $0x400;
	s28 =	simm.s32 @!p0 $0x7A1400;
	s23 =	sand.u32 @!p0 $0xFFFF, s23  }
0x4b: {  	s24 =	sshll.u32 @!p0 s23, $0xC;
	s22 =	ssub.s32 $0x0, s22;
	s25 =	spop @!p0 (v2sf)  }
0x4c: {  	s23 =	sadd.s32 @!p0 $0x1, s23;
	s22 =	sand.u32 $0xFFFF, s22;
	s25 =	sand.u32 @!p0 $0x1FFFFF80, s25  }
0x4d: {  	s24 =	sor.u32 @!p0 $0x200, s24;
	s29 =	sadd.s32 $0x1, s22;
	v2 =	vmov s21;
	s25 =	sadd.s32 @!p0 s1, s25  }
0x4e: {  	[tilespmem:s24], [sflag:s23] =	stream.strided.gather @!p0 [hbm4b:s25+s26], $0x1000, s28, s26, $0x38;
	[tilespmem:$0x1C200] =	vst v63  }
0x4f: {  	_ =	swait.ge [sflag:s29], $0x1000  }
0x50: {  	[sflag:s29] =	ssyncset.done $0x0  }
0x51: {  	[sflag:s29] =	ssyncadd.s32 $0xFFFFF000  }
0x52: {  	v2 =	vld.idx.msk [tilespmem:v2+s3+$0x0], $0xffff;
	_ =	sdelay $0x4  }
0x53: {  	s22 =	sshll.u32 s22, $0xC;
	v2 =	vand.u32 $0x7F, v2  }
0x54: {  	v2 =	vor.u32 s22, v2  }
0x55: {  	v3 =	vor.u32 v0, v2  }
0x56: {  	v5 =	vor.u32 v1, v2  }
0x57: {  	s30 =	simm.s32 $0x0;
	s31 =	sand.u32 $0x7F, s21  }
0x58: {  	p2 =	por $0x1, $0x1;
	p0 =	por $0x0, $0x0;
	s24 =	sand.u32 $0xFFFFF000, s30  }
.Ltmp2:
0x59: {  	s23 =	simm.s32 @!p0 $0x18;
	s21 =	sor.u32 s31, s24;
	(pc) =	sbr.rel @!p2 .LBB2_6-.Ltmp2, $4  }
0x5a: {  	s25 =	smul.u32 @!p0 $0xAAAB, s23;
	v4 =	vor.u32 s21, v0;
	v3 =	vld.idx.msk [tilespmem:v3+s13+$0x0], $0xffff  }
0x5b: {  	v6 =	vor.u32 s21, v1;
	v5 =	vld.idx.msk [tilespmem:v5+s13+$0x0], $0xffff  }
0x5c: {  	p1 =	por $0x1, $0x1;
	s25 =	sshrl.u32 @!p0 s25, $0x14;
	v2 =	vmov @!p0 s23  }
0x5d: {  	s24 =	simm.s32 @!p0 $0x0;
	s25 =	smul.u32 @!p0 $0x18, s25;
	s22 =	simm.s32 $0x2  }
.LBB2_7:
0x5e: {  	s21 =	smov.u32 s22;
	s22 =	sadd.s32 $0x1, s22  }
0x5f: {  	p2 =	sne.s32 s22, $0x200;
	s23 =	ssub.s32 @!p0 s23, s25;
	[tilespmem:v4+s14+$0x0] =	vst.idx.msk $0xffff, v3  }
0x60: {  	s23 =	sand.u32 @!p0 $0xFFFF, s23;
	[tilespmem:v6+s14+$0x0] =	vst.idx.msk $0xffff, v5  }
0x61: {  	v2 =	vld.idx.msk @!p0 [tilespmem:v2+s24+$0x0], $0xffff;
	s24 =	sshll.u32 @!p0 s23, $0xC;
	s23 =	sadd.s32 @!p0 $0x1, s23  }
0x62: {  	s24 =	sor.u32 @!p0 $0x200, s24;
	_ =	sdelay $0x4  }
0x63: {  	v2 =	vxor.u32 @!p0 $0x80000000, v2  }
0x64: {  	(xrf0) =	vmax.scan.msk.u32 @!p0 $0xffff, v2;
	_ =	sdelay $0x5  }
0x65: {  	v2, _, _ =	vpop @!p0 (xrf0)  }
0x66: {  	(v2sf) =	vpush @!p0 v2, $0xF;
	_ =	sdelay $0x8  }
0x67: {  	s25 =	smul.u32 $0xAAAB, s20;
	_ =	sdelay $0x1  }
0x68: {  	s25 =	sshrl.u32 s25, $0x14  }
0x69: {  	s25 =	smul.u32 $0x18, s25;
	_ =	sdelay $0x1  }
0x6a: {  	s26 =	simm.s32 @!p0 $0x400;
	s25 =	ssub.s32 s20, s25  }
0x6b: {  	s28 =	simm.s32 @!p0 $0x7A1400;
	s29 =	spop @!p0 (v2sf)  }
0x6c: {  	s25 =	sand.u32 $0xFFFF, s25;
	v2 =	vmov s20;
	s29 =	sand.u32 @!p0 $0x1FFFFF80, s29  }
0x6d: {  	s30 =	sadd.s32 $0x1, s25;
	s29 =	sadd.s32 @!p0 s1, s29  }
0x6e: {  	[tilespmem:s24], [sflag:s23] =	stream.strided.gather @!p0 [hbm4b:s29+s26], $0x1000, s28, s26, $0x38;
	[tilespmem:$0x1C200] =	vst v63  }
0x6f: {  	_ =	swait.ge [sflag:s30], $0x1000  }
0x70: {  	[sflag:s30] =	ssyncset.done $0x0  }
0x71: {  	[sflag:s30] =	ssyncadd.s32 $0xFFFFF000  }
0x72: {  	v2 =	vld.idx.msk [tilespmem:v2+s3+$0x0], $0xffff;
	_ =	sdelay $0x3  }
0x73: {  	s23 =	sshll.u32 s25, $0xC;
	_ =	sdelay $0x1  }
0x74: {  	v2 =	vand.u32 $0x7F, v2  }
0x75: {  	v2 =	vor.u32 s23, v2  }
0x76: {  	v3 =	vor.u32 v0, v2;
	v5 =	vor.u32 v1, v2;
	_ =	sdelay $0x1  }
0x77: {  	s23 =	sshll.u32 s20, $0x5  }
0x78: {  	s24 =	sand.u32 $0x7F, s20;
	s20 =	smov.u32 s21;
	s23 =	sand.u32 $0xFFFFF000, s23  }
0x79: {  	p0 =	sgt.u32 s20, $0x1E8;
	s21 =	sor.u32 s24, s23  }
.Ltmp3:
0x7a: {  	s23 =	sadd.s32 @!p0 $0x17, s20;
	s24 =	simm.s32 @!p0 $0x0;
	v4 =	vor.u32 s21, v0;
	v3 =	vld.idx.msk [tilespmem:v3+s13+$0x0], $0xffff;
	(pc) =	sbr.rel @p2 .LBB2_7-.Ltmp3, $3  }
0x7b: {  	v2 =	vmov @!p0 s23;
	s25 =	smul.u32 @!p0 $0xAAAB, s23;
	v6 =	vor.u32 s21, v1;
	v5 =	vld.idx.msk [tilespmem:v5+s13+$0x0], $0xffff;
	_ =	sdelay $0x1  }
0x7c: {  	s21 =	sshrl.u32 @!p0 s25, $0x14  }
0x7d: {  	s25 =	smul.u32 @!p0 $0x18, s21  }
0x7e: {  	s21 =	smov.u32 s20  }
.LBB2_9:
0x7f: {  	_ =	sdelay $0x3  }
0x80: {  	[tilespmem:v4+s14+$0x0] =	vst.idx.msk @p1 $0xffff, v3  }
0x81: {  	[tilespmem:v6+s14+$0x0] =	vst.idx.msk @p1 $0xffff, v5  }
0x82: {  	v2 =	vld.idx.msk @!p0 [tilespmem:v2+s24+$0x0], $0xffff;
	_ =	sdelay $0x4  }
0x83: {  	v2 =	vxor.u32 @!p0 $0x80000000, v2  }
0x84: {  	(xrf0) =	vmax.scan.msk.u32 @!p0 $0xffff, v2;
	_ =	sdelay $0x5  }
0x85: {  	v2, _, _ =	vpop @!p0 (xrf0)  }
0x86: {  	(v2sf) =	vpush @!p0 v2, $0xF;
	_ =	sdelay $0x9  }
0x87: {  	s20 =	smul.u32 $0xAAAB, s21;
	_ =	sdelay $0x1  }
0x88: {  	s20 =	sshrl.u32 s20, $0x14  }
0x89: {  	s22 =	ssub.s32 @!p0 s23, s25;
	s20 =	smul.u32 $0x18, s20  }
0x8a: {  	s25 =	simm.s32 @!p0 $0x400;
	s26 =	simm.s32 @!p0 $0x7A1400;
	s22 =	sand.u32 @!p0 $0xFFFF, s22  }
0x8b: {  	s23 =	sshll.u32 @!p0 s22, $0xC;
	s20 =	ssub.s32 s21, s20;
	s24 =	spop @!p0 (v2sf)  }
0x8c: {  	s22 =	sadd.s32 @!p0 $0x1, s22;
	s20 =	sand.u32 $0xFFFF, s20;
	s24 =	sand.u32 @!p0 $0x1FFFFF80, s24  }
0x8d: {  	s23 =	sor.u32 @!p0 $0x200, s23;
	s28 =	sadd.s32 $0x1, s20;
	v2 =	vmov s21;
	s24 =	sadd.s32 @!p0 s1, s24  }
0x8e: {  	[tilespmem:s23], [sflag:s22] =	stream.strided.gather @!p0 [hbm4b:s24+s25], $0x1000, s26, s25, $0x38;
	[tilespmem:$0x1C200] =	vst v63  }
0x8f: {  	_ =	swait.ge [sflag:s28], $0x1000  }
0x90: {  	[sflag:s28] =	ssyncset.done $0x0  }
0x91: {  	[sflag:s28] =	ssyncadd.s32 $0xFFFFF000  }
0x92: {  	v2 =	vld.idx.msk [tilespmem:v2+s3+$0x0], $0xffff;
	_ =	sdelay $0x4  }
0x93: {  	s20 =	sshll.u32 s20, $0xC;
	v2 =	vand.u32 $0x7F, v2  }
0x94: {  	v2 =	vor.u32 s20, v2  }
0x95: {  	v3 =	vor.u32 v0, v2  }
0x96: {  	v2 =	vor.u32 v1, v2  }
0x97: {  	s30 =	sshll.u32 s21, $0x5  }
0x98: {  	s31 =	sand.u32 $0x7F, s21;
	s20 =	sand.u32 $0xFFFFF000, s30  }
0x99: {  	s20 =	sor.u32 s31, s20  }
0x9a: {  	v62 =	vor.u32 s20, v0;
	v3 =	vld.idx.msk [tilespmem:v3+s13+$0x0], $0xffff  }
0x9b: {  	v63 =	vor.u32 s20, v1;
	v2 =	vld.idx.msk [tilespmem:v2+s13+$0x0], $0xffff;
	_ =	sdelay $0x3  }
0x9c: {  	[tilespmem:v62+s14+$0x0] =	vst.idx.msk $0xffff, v3  }
0x9d: {  	[tilespmem:v63+s14+$0x0] =	vst.idx.msk $0xffff, v2  }
0x9e: {  	[hbm4b:s4+s11] =	stream.strided.scatter [tilespmem:s14], [sflag:$0x19], $0x1000, s15, s11, $0x38;
	[tilespmem:$0x1C200] =	vst v63  }
0x9f: {  	_ =	swait.ge [sflag:s10], $0x1000  }
0xa0: {  	[sflag:s10] =	ssyncset.done $0x0  }
0xa1: {  	[sflag:s10] =	ssyncadd.s32 $0xFFFFF000  }
0xa2: {  	[hbm4b:s6+s11] =	stream.strided.scatter [tilespmem:s16], [sflag:$0x19], $0x1000, s15, s11, $0x38;
	[tilespmem:$0x1C200] =	vst v63  }
0xa3: {  	_ =	swait.ge [sflag:s10], $0x1000  }
0xa4: {  	[sflag:s10] =	ssyncset.done $0x0  }
0xa5: {  	[sflag:s10] =	ssyncadd.s32 $0xFFFFF000  }
0xa6: {  	[hbm4b:s7+s11] =	stream.strided.scatter [tilespmem:s17], [sflag:$0x19], $0x1000, s15, s11, $0x38;
	[tilespmem:$0x1C200] =	vst v63  }
0xa7: {  	_ =	swait.ge [sflag:s10], $0x1000  }
0xa8: {  	s19 =	sadd.s32 $0x1, s19;
	[sflag:s10] =	ssyncset.done $0x0  }
0xa9: {  	p0 =	sne.s32 s19, s9;
	[sflag:s10] =	ssyncadd.s32 $0xFFFFF000  }
0xaa: {  	[hbm4b:s8+s11] =	stream.strided.scatter [tilespmem:s18], [sflag:$0x19], $0x1000, s15, s11, $0x38;
	[tilespmem:$0x1C200] =	vst v63  }
.Ltmp4:
0xab: {  	_ = 	snop;
	(pc) =	sbr.rel @p0 .LBB2_1-.Ltmp4, $4  }
.Ltmp5:
0xac: {  	_ = 	snop;
	(pc) =	sbr.rel @!p0 .LBB2_10-.Ltmp5, $4  }
0xad: {  	_ =	swait.ge [sflag:s10], $0x1000  }
0xae: {  	[sflag:s10] =	ssyncset.done $0x0  }
0xaf: {  	[sflag:s10] =	ssyncadd.s32 $0xFFFFF000  }
0xb0: {  	_ = 	snop  }
.LBB2_4:
.Ltmp6:
0xb1: {  	(pc) =	sbr.rel .LBB2_9-.Ltmp6, $2  }
0xb2: {  	_ =	sdelay $0x2  }
0xb3: {  	_ = 	snop  }
.LBB2_6:
.Ltmp7:
0xb4: {  	(pc) =	sbr.rel .LBB2_9-.Ltmp7, $2  }
0xb5: {  	_ =	sdelay $0x2  }
0xb6: {  	s21 =	simm.s32 $0x1  }
.LBB2_10:
0xb7: {  	_ =	sfence.sel $0x180000  }
0xb8: {  	[bflag:$0x0] =	sbarrier.arrive $0xFFFF  }
0xb9: {  	p0 =	sne.s32 s2, $0x0;
	_ =	strace $0x90000047  }
0xba: {  	s0 =	sadd.s32 @!p0 $0x100000, s0;
	[bflag:$0x2] =	sbarrier.arrive $0xFFFF  }
0xbb: {  	[sflag:s0] =	ssyncadd.tile.s32 @!p0 $0x1;
	_ =	shalt  }
.Lfunc_end2:
_tile_overlayer_lowered:
.L_overlay_start_2:
0xbc: {  	(tag) =	ssettag $0x2  }
0xbd: {  	s0 =	rddreg [dreg:$0x0];
	s2 =	stileid.u32  }
0xbe: {  	s1 =	rddreg [dreg:$0x1];
	p0 =	sne.s32 s2, $0x0  }
0xbf: {  	s3 =	rddreg [dreg:$0x2];
	[bflag:$0x3] =	sbarrier.arrive $0xFFFF;
	s2 =	simm.s32 @!p0 $0x1C19  }
0xc0: {  	[timem:s3], [sflag:s2] =	dma.local @!p0 [hbm:s0], s1  }
0xc1: {  	s0 =	simm.s32 @!p0 $0x19  }
0xc2: {  	_ =	swait.ge @!p0 [sflag:s0], s1  }
0xc3: {  	s1 =	ssub.s32 @!p0 $0x0, s1;
	[sflag:s0] =	ssyncset.done @!p0 $0x0  }
0xc4: {  	[sflag:s0] =	ssyncadd.s32 @!p0 s1  }
0xc5: {  	[bflag:$0x3] =	sbarrier.arrive $0xFFFF  }
0xc6: {  	_ =	shalt  }

</sc_bundles>
